<compile_context>
chip_gen: v7x
topology: tpu7x:2x2x1
jax: 0.10.2.dev20260603
libtpu: 0.0.44.dev20260713+nightly
codegen_flags: <defaults>
</compile_context>

<pallas_src>
import jax
import jax.numpy as jnp
from jax import lax
from jax.experimental import pallas as pl
from jax.experimental.pallas import tpu as pltpu
from jax.experimental.pallas import tpu_sc as plsc

_BATCH = 16384
_XDIM = 128
_EDIM = 10
_ODIM = _XDIM + _EDIM
_MAXP = 36
_PAD = 16
_NC, _NS = 2, 16
_NW = _NC * _NS
_BPW = _BATCH // _NW
_ICHUNK = 128
_NPC = _BPW // _ICHUNK
_XBLK = 4096


def _sc_gather_body(idx_hbm, tbl_hbm, out_hbm, idx_v, piece_v, gsem):
    wid = lax.axis_index("s") * _NC + lax.axis_index("c")

    pltpu.sync_copy(idx_hbm.at[pl.ds(wid * _NPC, _NPC)], idx_v)

    gathers = [
        pltpu.async_copy(tbl_hbm.at[idx_v.at[pc]], piece_v.at[pc], gsem)
        for pc in range(_NPC)
    ]
    for pc in range(_NPC):
        gathers[pc].wait()
        pltpu.sync_copy(
            piece_v.at[pc],
            out_hbm.at[pl.ds(wid * _BPW + pc * _ICHUNK, _ICHUNK)])


def _concat_body(x_ref, pe_ref, o_ref):
    o_ref[...] = jnp.concatenate(
        [x_ref[...], pe_ref[:, :_EDIM]], axis=1)


def kernel(x, position, emb):
    idx = position.astype(jnp.int32).reshape(_NW * _NPC, _ICHUNK)
    tbl = jnp.pad(emb, ((0, 0), (0, _PAD - _EDIM)))

    mesh = plsc.VectorSubcoreMesh(core_axis_name="c", subcore_axis_name="s")
    pe16 = pl.kernel(
        _sc_gather_body,
        out_type=jax.ShapeDtypeStruct((_BATCH, _PAD), jnp.float32),
        mesh=mesh,
        scratch_types=[
            pltpu.VMEM((_NPC, _ICHUNK), jnp.int32),
            pltpu.VMEM((_NPC, _ICHUNK, _PAD), jnp.float32),
            pltpu.SemaphoreType.DMA,
        ],
        compiler_params=pltpu.CompilerParams(use_tc_tiling_on_sc=False),
    )(idx, tbl)

    return pl.pallas_call(
        _concat_body,
        grid=(_BATCH // _XBLK,),
        in_specs=[
            pl.BlockSpec((_XBLK, _XDIM), lambda i: (i, 0)),
            pl.BlockSpec((_XBLK, _PAD), lambda i: (i, 0)),
        ],
        out_specs=pl.BlockSpec((_XBLK, _ODIM), lambda i: (i, 0)),
        out_shape=jax.ShapeDtypeStruct((_BATCH, _ODIM), jnp.float32),
    )(x, pe16)

# --- scband reference (transcript-rebuilt; emitter-appended) ---
"""Pipeline reference for scband-utterance-position-embedding-21165598835039 (READ-ONLY COPY).

The authoritative reference and input builder live on the scoring server;
editing this copy changes nothing except your own understanding.
"""

import jax, jax.numpy as jnp
import numpy as np

MAX_LEN = 36
EMB_DIM = 10
BATCH = 16384
XDIM = 128

def setup_inputs(seed: int = 0) -> dict:
    key = jax.random.key(seed)
    k1, k2, k3 = jax.random.split(key, 3)
    x = jax.random.normal(k1, (BATCH, XDIM), dtype=jnp.float32)
    position = jax.random.randint(k2, (BATCH,), 0, MAX_LEN, dtype=jnp.int64 if jax.config.read('jax_enable_x64') else jnp.int32)
    emb = jax.random.normal(k3, (MAX_LEN, EMB_DIM), dtype=jnp.float32)
    return {"x": x, "position": position, "emb": emb}

def reference(x, position, emb):
    # emb(position) -> gather rows from embedding table, then concat along dim=1
    pos_emb = jnp.take(emb, position, axis=0)
    return jnp.concatenate((x, pos_emb), axis=1)

if __name__ == "__main__":
    import jax
    _d = setup_inputs()
    print(jax.jit(kernel)(*tuple(_d.values())))

</pallas_src>

<mosaic_0001>
#map = affine_map<(d0, d1) -> (0, 0)>
module attributes {stable_mosaic.version = 14 : i64} {
  func.func @_sc_gather_body(%arg0: i32, %arg1: i32, %arg2: memref<128x128xi32, #tpu.memory_space<hbm>>, %arg3: memref<36x16xf32, #tpu.memory_space<hbm>>, %arg4: memref<16384x16xf32, #tpu.memory_space<hbm>>, %arg5: memref<4x128xi32, #tpu.memory_space<vmem>>, %arg6: memref<4x128x16xf32, #tpu.memory_space<vmem>>, %arg7: memref<!tpu.dma_semaphore, #tpu.memory_space<semaphore_mem>>) attributes {dimension_semantics = [#tpu.dimension_semantics<core_parallel>, #tpu.dimension_semantics<subcore_parallel>], iteration_bounds = array<i64: 2, 16>, scalar_prefetch = 0 : i64, scratch_operands = 3 : i64, tpu.core_type = #tpu.core_type<sc_vector_subcore>, window_params = [{transform_indices = #map}, {transform_indices = #map}, {transform_indices = #map}]} {
    %mul3A = arith.constant 2 : i32
    %mul3A_0 = arith.muli %arg1, %mul3A : i32
    %add3A = arith.addi %mul3A_0, %arg0 : i32
    %mul3A_1 = arith.constant 4 : i32
    %mul3A_2 = arith.muli %add3A, %mul3A_1 : i32
    "tpu.region"() ({
      %run_scoped3A_116 = tpu.sem_alloc : memref<!tpu.dma_semaphore, #tpu.memory_space<semaphore_mem>>
      %dma_start3A_117 = arith.constant 0 : i32
      %dma_start3A_118 = tpu.memref_slice %arg2[%mul3A_2, %dma_start3A_117] : memref<128x128xi32, #tpu.memory_space<hbm>> -> memref<4x128xi32, #tpu.memory_space<hbm>>
      %dma_start3A_119 = arith.constant 0 : i32
      %dma_start3A_120 = tpu.memref_slice %arg2[%mul3A_2, %dma_start3A_119] : memref<128x128xi32, #tpu.memory_space<hbm>> -> memref<4x128xi32, #tpu.memory_space<hbm>>
      tpu.enqueue_dma source(%dma_start3A_120 : memref<4x128xi32, #tpu.memory_space<hbm>>) target(%arg5 : memref<4x128xi32, #tpu.memory_space<vmem>>) target_semaphore(%run_scoped3A_116 : memref<!tpu.dma_semaphore, #tpu.memory_space<semaphore_mem>>)
      %dma_wait3A_121 = arith.constant 0 : i32
      %dma_wait3A_122 = tpu.memref_slice %arg2[%mul3A_2, %dma_wait3A_121] : memref<128x128xi32, #tpu.memory_space<hbm>> -> memref<4x128xi32, #tpu.memory_space<hbm>>
      %dma_wait3A_123 = arith.constant 0 : i32
      %dma_wait3A_124 = tpu.memref_slice %arg2[%mul3A_2, %dma_wait3A_123] : memref<128x128xi32, #tpu.memory_space<hbm>> -> memref<4x128xi32, #tpu.memory_space<hbm>>
      tpu.wait_dma2 semaphore(%run_scoped3A_116 : memref<!tpu.dma_semaphore, #tpu.memory_space<semaphore_mem>>) src(%dma_wait3A_124 : memref<4x128xi32, #tpu.memory_space<hbm>>) dst(%arg5 : memref<4x128xi32, #tpu.memory_space<vmem>>)
      tpu.yield
    }) : () -> ()
    %dma_start3A = arith.constant 0 : i32
    %dma_start3A_3 = arith.constant 0 : i32
    %dma_start3A_4 = arith.constant 0 : i32
    %dma_start3A_5 = arith.constant 0 : i32
    %dma_start3A_6 = tpu.memref_slice %arg6[%dma_start3A_3, %dma_start3A_4, %dma_start3A_5] : memref<4x128x16xf32, #tpu.memory_space<vmem>> -> memref<1x128x16xf32, #tpu.memory_space<vmem>>
    %dma_start3A_7 = tpu.memref_squeeze %dma_start3A_6 : memref<1x128x16xf32, #tpu.memory_space<vmem>> -> memref<128x16xf32, #tpu.memory_space<vmem>>
    %dma_start3A_8 = arith.constant 0 : i32
    %dma_start3A_9 = tpu.memref_slice %arg5[%dma_start3A, %dma_start3A_8] : memref<4x128xi32, #tpu.memory_space<vmem>> -> memref<1x128xi32, #tpu.memory_space<vmem>>
    %dma_start3A_10 = tpu.memref_squeeze %dma_start3A_9 : memref<1x128xi32, #tpu.memory_space<vmem>> -> memref<128xi32, #tpu.memory_space<vmem>>
    %dma_start3A_11 = arith.constant 0 : i32
    %dma_start3A_12 = arith.constant 0 : i32
    %dma_start3A_13 = tpu.memref_slice %arg3[%dma_start3A_11, %dma_start3A_12] : memref<36x16xf32, #tpu.memory_space<hbm>> -> memref<36x16xf32, #tpu.memory_space<hbm>>
    tpu.enqueue_indirect_dma source(%dma_start3A_13 : memref<36x16xf32, #tpu.memory_space<hbm>>) target(%dma_start3A_7 : memref<128x16xf32, #tpu.memory_space<vmem>>) offsets(%dma_start3A_10 : memref<128xi32, #tpu.memory_space<vmem>>) semaphore(%arg7 : memref<!tpu.dma_semaphore, #tpu.memory_space<semaphore_mem>>)
    %dma_start3A_14 = arith.constant 1 : i32
    %dma_start3A_15 = arith.constant 1 : i32
    %dma_start3A_16 = arith.constant 0 : i32
    %dma_start3A_17 = arith.constant 0 : i32
    %dma_start3A_18 = tpu.memref_slice %arg6[%dma_start3A_15, %dma_start3A_16, %dma_start3A_17] : memref<4x128x16xf32, #tpu.memory_space<vmem>> -> memref<1x128x16xf32, #tpu.memory_space<vmem>>
    %dma_start3A_19 = tpu.memref_squeeze %dma_start3A_18 : memref<1x128x16xf32, #tpu.memory_space<vmem>> -> memref<128x16xf32, #tpu.memory_space<vmem>>
    %dma_start3A_20 = arith.constant 0 : i32
    %dma_start3A_21 = tpu.memref_slice %arg5[%dma_start3A_14, %dma_start3A_20] : memref<4x128xi32, #tpu.memory_space<vmem>> -> memref<1x128xi32, #tpu.memory_space<vmem>>
    %dma_start3A_22 = tpu.memref_squeeze %dma_start3A_21 : memref<1x128xi32, #tpu.memory_space<vmem>> -> memref<128xi32, #tpu.memory_space<vmem>>
    %dma_start3A_23 = arith.constant 0 : i32
    %dma_start3A_24 = arith.constant 0 : i32
    %dma_start3A_25 = tpu.memref_slice %arg3[%dma_start3A_23, %dma_start3A_24] : memref<36x16xf32, #tpu.memory_space<hbm>> -> memref<36x16xf32, #tpu.memory_space<hbm>>
    tpu.enqueue_indirect_dma source(%dma_start3A_25 : memref<36x16xf32, #tpu.memory_space<hbm>>) target(%dma_start3A_19 : memref<128x16xf32, #tpu.memory_space<vmem>>) offsets(%dma_start3A_22 : memref<128xi32, #tpu.memory_space<vmem>>) semaphore(%arg7 : memref<!tpu.dma_semaphore, #tpu.memory_space<semaphore_mem>>)
    %dma_start3A_26 = arith.constant 2 : i32
    %dma_start3A_27 = arith.constant 2 : i32
    %dma_start3A_28 = arith.constant 0 : i32
    %dma_start3A_29 = arith.constant 0 : i32
    %dma_start3A_30 = tpu.memref_slice %arg6[%dma_start3A_27, %dma_start3A_28, %dma_start3A_29] : memref<4x128x16xf32, #tpu.memory_space<vmem>> -> memref<1x128x16xf32, #tpu.memory_space<vmem>>
    %dma_start3A_31 = tpu.memref_squeeze %dma_start3A_30 : memref<1x128x16xf32, #tpu.memory_space<vmem>> -> memref<128x16xf32, #tpu.memory_space<vmem>>
    %dma_start3A_32 = arith.constant 0 : i32
    %dma_start3A_33 = tpu.memref_slice %arg5[%dma_start3A_26, %dma_start3A_32] : memref<4x128xi32, #tpu.memory_space<vmem>> -> memref<1x128xi32, #tpu.memory_space<vmem>>
    %dma_start3A_34 = tpu.memref_squeeze %dma_start3A_33 : memref<1x128xi32, #tpu.memory_space<vmem>> -> memref<128xi32, #tpu.memory_space<vmem>>
    %dma_start3A_35 = arith.constant 0 : i32
    %dma_start3A_36 = arith.constant 0 : i32
    %dma_start3A_37 = tpu.memref_slice %arg3[%dma_start3A_35, %dma_start3A_36] : memref<36x16xf32, #tpu.memory_space<hbm>> -> memref<36x16xf32, #tpu.memory_space<hbm>>
    tpu.enqueue_indirect_dma source(%dma_start3A_37 : memref<36x16xf32, #tpu.memory_space<hbm>>) target(%dma_start3A_31 : memref<128x16xf32, #tpu.memory_space<vmem>>) offsets(%dma_start3A_34 : memref<128xi32, #tpu.memory_space<vmem>>) semaphore(%arg7 : memref<!tpu.dma_semaphore, #tpu.memory_space<semaphore_mem>>)
    %dma_start3A_38 = arith.constant 3 : i32
    %dma_start3A_39 = arith.constant 3 : i32
    %dma_start3A_40 = arith.constant 0 : i32
    %dma_start3A_41 = arith.constant 0 : i32
    %dma_start3A_42 = tpu.memref_slice %arg6[%dma_start3A_39, %dma_start3A_40, %dma_start3A_41] : memref<4x128x16xf32, #tpu.memory_space<vmem>> -> memref<1x128x16xf32, #tpu.memory_space<vmem>>
    %dma_start3A_43 = tpu.memref_squeeze %dma_start3A_42 : memref<1x128x16xf32, #tpu.memory_space<vmem>> -> memref<128x16xf32, #tpu.memory_space<vmem>>
    %dma_start3A_44 = arith.constant 0 : i32
    %dma_start3A_45 = tpu.memref_slice %arg5[%dma_start3A_38, %dma_start3A_44] : memref<4x128xi32, #tpu.memory_space<vmem>> -> memref<1x128xi32, #tpu.memory_space<vmem>>
    %dma_start3A_46 = tpu.memref_squeeze %dma_start3A_45 : memref<1x128xi32, #tpu.memory_space<vmem>> -> memref<128xi32, #tpu.memory_space<vmem>>
    %dma_start3A_47 = arith.constant 0 : i32
    %dma_start3A_48 = arith.constant 0 : i32
    %dma_start3A_49 = tpu.memref_slice %arg3[%dma_start3A_47, %dma_start3A_48] : memref<36x16xf32, #tpu.memory_space<hbm>> -> memref<36x16xf32, #tpu.memory_space<hbm>>
    tpu.enqueue_indirect_dma source(%dma_start3A_49 : memref<36x16xf32, #tpu.memory_space<hbm>>) target(%dma_start3A_43 : memref<128x16xf32, #tpu.memory_space<vmem>>) offsets(%dma_start3A_46 : memref<128xi32, #tpu.memory_space<vmem>>) semaphore(%arg7 : memref<!tpu.dma_semaphore, #tpu.memory_space<semaphore_mem>>)
    %dma_wait3A = arith.constant 0 : i32
    %dma_wait3A_50 = arith.constant 0 : i32
    %dma_wait3A_51 = arith.constant 0 : i32
    %dma_wait3A_52 = arith.constant 0 : i32
    %dma_wait3A_53 = tpu.memref_slice %arg6[%dma_wait3A_50, %dma_wait3A_51, %dma_wait3A_52] : memref<4x128x16xf32, #tpu.memory_space<vmem>> -> memref<1x128x16xf32, #tpu.memory_space<vmem>>
    %dma_wait3A_54 = tpu.memref_squeeze %dma_wait3A_53 : memref<1x128x16xf32, #tpu.memory_space<vmem>> -> memref<128x16xf32, #tpu.memory_space<vmem>>
    %dma_wait3A_55 = arith.constant 0 : i32
    %dma_wait3A_56 = tpu.memref_slice %arg5[%dma_wait3A, %dma_wait3A_55] : memref<4x128xi32, #tpu.memory_space<vmem>> -> memref<1x128xi32, #tpu.memory_space<vmem>>
    %dma_wait3A_57 = tpu.memref_squeeze %dma_wait3A_56 : memref<1x128xi32, #tpu.memory_space<vmem>> -> memref<128xi32, #tpu.memory_space<vmem>>
    %dma_wait3A_58 = arith.constant 0 : i32
    %dma_wait3A_59 = arith.constant 0 : i32
    %dma_wait3A_60 = tpu.memref_slice %arg3[%dma_wait3A_58, %dma_wait3A_59] : memref<36x16xf32, #tpu.memory_space<hbm>> -> memref<36x16xf32, #tpu.memory_space<hbm>>
    tpu.wait_indirect_dma semaphore(%arg7 : memref<!tpu.dma_semaphore, #tpu.memory_space<semaphore_mem>>) src(%dma_wait3A_60 : memref<36x16xf32, #tpu.memory_space<hbm>>) dst(%dma_wait3A_54 : memref<128x16xf32, #tpu.memory_space<vmem>>)
    %mul3A_61 = arith.constant 512 : i32
    %mul3A_62 = arith.muli %add3A, %mul3A_61 : i32
    %add3A_63 = arith.constant 0 : i32
    %add3A_64 = arith.addi %mul3A_62, %add3A_63 : i32
    %run_scoped3A = arith.constant 0 : i32
    "tpu.region"() ({
      %run_scoped3A_116 = tpu.sem_alloc : memref<!tpu.dma_semaphore, #tpu.memory_space<semaphore_mem>>
      %dma_start3A_117 = arith.constant 0 : i32
      %dma_start3A_118 = arith.constant 0 : i32
      %dma_start3A_119 = tpu.memref_slice %arg6[%run_scoped3A, %dma_start3A_117, %dma_start3A_118] : memref<4x128x16xf32, #tpu.memory_space<vmem>> -> memref<1x128x16xf32, #tpu.memory_space<vmem>>
      %dma_start3A_120 = tpu.memref_squeeze %dma_start3A_119 : memref<1x128x16xf32, #tpu.memory_space<vmem>> -> memref<128x16xf32, #tpu.memory_space<vmem>>
      %dma_start3A_121 = arith.constant 0 : i32
      %dma_start3A_122 = tpu.memref_slice %arg4[%add3A_64, %dma_start3A_121] : memref<16384x16xf32, #tpu.memory_space<hbm>> -> memref<128x16xf32, #tpu.memory_space<hbm>>
      %dma_start3A_123 = arith.constant 0 : i32
      %dma_start3A_124 = tpu.memref_slice %arg4[%add3A_64, %dma_start3A_123] : memref<16384x16xf32, #tpu.memory_space<hbm>> -> memref<128x16xf32, #tpu.memory_space<hbm>>
      %dma_start3A_125 = arith.constant 0 : i32
      %dma_start3A_126 = arith.constant 0 : i32
      %dma_start3A_127 = tpu.memref_slice %arg6[%run_scoped3A, %dma_start3A_125, %dma_start3A_126] : memref<4x128x16xf32, #tpu.memory_space<vmem>> -> memref<1x128x16xf32, #tpu.memory_space<vmem>>
      %dma_start3A_128 = tpu.memref_squeeze %dma_start3A_127 : memref<1x128x16xf32, #tpu.memory_space<vmem>> -> memref<128x16xf32, #tpu.memory_space<vmem>>
      tpu.enqueue_dma source(%dma_start3A_128 : memref<128x16xf32, #tpu.memory_space<vmem>>) target(%dma_start3A_124 : memref<128x16xf32, #tpu.memory_space<hbm>>) target_semaphore(%run_scoped3A_116 : memref<!tpu.dma_semaphore, #tpu.memory_space<semaphore_mem>>)
      %dma_wait3A_129 = arith.constant 0 : i32
      %dma_wait3A_130 = arith.constant 0 : i32
      %dma_wait3A_131 = tpu.memref_slice %arg6[%run_scoped3A, %dma_wait3A_129, %dma_wait3A_130] : memref<4x128x16xf32, #tpu.memory_space<vmem>> -> memref<1x128x16xf32, #tpu.memory_space<vmem>>
      %dma_wait3A_132 = tpu.memref_squeeze %dma_wait3A_131 : memref<1x128x16xf32, #tpu.memory_space<vmem>> -> memref<128x16xf32, #tpu.memory_space<vmem>>
      %dma_wait3A_133 = arith.constant 0 : i32
      %dma_wait3A_134 = tpu.memref_slice %arg4[%add3A_64, %dma_wait3A_133] : memref<16384x16xf32, #tpu.memory_space<hbm>> -> memref<128x16xf32, #tpu.memory_space<hbm>>
      %dma_wait3A_135 = arith.constant 0 : i32
      %dma_wait3A_136 = tpu.memref_slice %arg4[%add3A_64, %dma_wait3A_135] : memref<16384x16xf32, #tpu.memory_space<hbm>> -> memref<128x16xf32, #tpu.memory_space<hbm>>
      %dma_wait3A_137 = arith.constant 0 : i32
      %dma_wait3A_138 = arith.constant 0 : i32
      %dma_wait3A_139 = tpu.memref_slice %arg6[%run_scoped3A, %dma_wait3A_137, %dma_wait3A_138] : memref<4x128x16xf32, #tpu.memory_space<vmem>> -> memref<1x128x16xf32, #tpu.memory_space<vmem>>
      %dma_wait3A_140 = tpu.memref_squeeze %dma_wait3A_139 : memref<1x128x16xf32, #tpu.memory_space<vmem>> -> memref<128x16xf32, #tpu.memory_space<vmem>>
      tpu.wait_dma2 semaphore(%run_scoped3A_116 : memref<!tpu.dma_semaphore, #tpu.memory_space<semaphore_mem>>) src(%dma_wait3A_140 : memref<128x16xf32, #tpu.memory_space<vmem>>) dst(%dma_wait3A_136 : memref<128x16xf32, #tpu.memory_space<hbm>>)
      tpu.yield
    }) : () -> ()
    %dma_wait3A_65 = arith.constant 1 : i32
    %dma_wait3A_66 = arith.constant 1 : i32
    %dma_wait3A_67 = arith.constant 0 : i32
    %dma_wait3A_68 = arith.constant 0 : i32
    %dma_wait3A_69 = tpu.memref_slice %arg6[%dma_wait3A_66, %dma_wait3A_67, %dma_wait3A_68] : memref<4x128x16xf32, #tpu.memory_space<vmem>> -> memref<1x128x16xf32, #tpu.memory_space<vmem>>
    %dma_wait3A_70 = tpu.memref_squeeze %dma_wait3A_69 : memref<1x128x16xf32, #tpu.memory_space<vmem>> -> memref<128x16xf32, #tpu.memory_space<vmem>>
    %dma_wait3A_71 = arith.constant 0 : i32
    %dma_wait3A_72 = tpu.memref_slice %arg5[%dma_wait3A_65, %dma_wait3A_71] : memref<4x128xi32, #tpu.memory_space<vmem>> -> memref<1x128xi32, #tpu.memory_space<vmem>>
    %dma_wait3A_73 = tpu.memref_squeeze %dma_wait3A_72 : memref<1x128xi32, #tpu.memory_space<vmem>> -> memref<128xi32, #tpu.memory_space<vmem>>
    %dma_wait3A_74 = arith.constant 0 : i32
    %dma_wait3A_75 = arith.constant 0 : i32
    %dma_wait3A_76 = tpu.memref_slice %arg3[%dma_wait3A_74, %dma_wait3A_75] : memref<36x16xf32, #tpu.memory_space<hbm>> -> memref<36x16xf32, #tpu.memory_space<hbm>>
    tpu.wait_indirect_dma semaphore(%arg7 : memref<!tpu.dma_semaphore, #tpu.memory_space<semaphore_mem>>) src(%dma_wait3A_76 : memref<36x16xf32, #tpu.memory_space<hbm>>) dst(%dma_wait3A_70 : memref<128x16xf32, #tpu.memory_space<vmem>>)
    %mul3A_77 = arith.constant 512 : i32
    %mul3A_78 = arith.muli %add3A, %mul3A_77 : i32
    %add3A_79 = arith.constant 128 : i32
    %add3A_80 = arith.addi %mul3A_78, %add3A_79 : i32
    %run_scoped3A_81 = arith.constant 1 : i32
    "tpu.region"() ({
      %run_scoped3A_116 = tpu.sem_alloc : memref<!tpu.dma_semaphore, #tpu.memory_space<semaphore_mem>>
      %dma_start3A_117 = arith.constant 0 : i32
      %dma_start3A_118 = arith.constant 0 : i32
      %dma_start3A_119 = tpu.memref_slice %arg6[%run_scoped3A_81, %dma_start3A_117, %dma_start3A_118] : memref<4x128x16xf32, #tpu.memory_space<vmem>> -> memref<1x128x16xf32, #tpu.memory_space<vmem>>
      %dma_start3A_120 = tpu.memref_squeeze %dma_start3A_119 : memref<1x128x16xf32, #tpu.memory_space<vmem>> -> memref<128x16xf32, #tpu.memory_space<vmem>>
      %dma_start3A_121 = arith.constant 0 : i32
      %dma_start3A_122 = tpu.memref_slice %arg4[%add3A_80, %dma_start3A_121] : memref<16384x16xf32, #tpu.memory_space<hbm>> -> memref<128x16xf32, #tpu.memory_space<hbm>>
      %dma_start3A_123 = arith.constant 0 : i32
      %dma_start3A_124 = tpu.memref_slice %arg4[%add3A_80, %dma_start3A_123] : memref<16384x16xf32, #tpu.memory_space<hbm>> -> memref<128x16xf32, #tpu.memory_space<hbm>>
      %dma_start3A_125 = arith.constant 0 : i32
      %dma_start3A_126 = arith.constant 0 : i32
      %dma_start3A_127 = tpu.memref_slice %arg6[%run_scoped3A_81, %dma_start3A_125, %dma_start3A_126] : memref<4x128x16xf32, #tpu.memory_space<vmem>> -> memref<1x128x16xf32, #tpu.memory_space<vmem>>
      %dma_start3A_128 = tpu.memref_squeeze %dma_start3A_127 : memref<1x128x16xf32, #tpu.memory_space<vmem>> -> memref<128x16xf32, #tpu.memory_space<vmem>>
      tpu.enqueue_dma source(%dma_start3A_128 : memref<128x16xf32, #tpu.memory_space<vmem>>) target(%dma_start3A_124 : memref<128x16xf32, #tpu.memory_space<hbm>>) target_semaphore(%run_scoped3A_116 : memref<!tpu.dma_semaphore, #tpu.memory_space<semaphore_mem>>)
      %dma_wait3A_129 = arith.constant 0 : i32
      %dma_wait3A_130 = arith.constant 0 : i32
      %dma_wait3A_131 = tpu.memref_slice %arg6[%run_scoped3A_81, %dma_wait3A_129, %dma_wait3A_130] : memref<4x128x16xf32, #tpu.memory_space<vmem>> -> memref<1x128x16xf32, #tpu.memory_space<vmem>>
      %dma_wait3A_132 = tpu.memref_squeeze %dma_wait3A_131 : memref<1x128x16xf32, #tpu.memory_space<vmem>> -> memref<128x16xf32, #tpu.memory_space<vmem>>
      %dma_wait3A_133 = arith.constant 0 : i32
      %dma_wait3A_134 = tpu.memref_slice %arg4[%add3A_80, %dma_wait3A_133] : memref<16384x16xf32, #tpu.memory_space<hbm>> -> memref<128x16xf32, #tpu.memory_space<hbm>>
      %dma_wait3A_135 = arith.constant 0 : i32
      %dma_wait3A_136 = tpu.memref_slice %arg4[%add3A_80, %dma_wait3A_135] : memref<16384x16xf32, #tpu.memory_space<hbm>> -> memref<128x16xf32, #tpu.memory_space<hbm>>
      %dma_wait3A_137 = arith.constant 0 : i32
      %dma_wait3A_138 = arith.constant 0 : i32
      %dma_wait3A_139 = tpu.memref_slice %arg6[%run_scoped3A_81, %dma_wait3A_137, %dma_wait3A_138] : memref<4x128x16xf32, #tpu.memory_space<vmem>> -> memref<1x128x16xf32, #tpu.memory_space<vmem>>
      %dma_wait3A_140 = tpu.memref_squeeze %dma_wait3A_139 : memref<1x128x16xf32, #tpu.memory_space<vmem>> -> memref<128x16xf32, #tpu.memory_space<vmem>>
      tpu.wait_dma2 semaphore(%run_scoped3A_116 : memref<!tpu.dma_semaphore, #tpu.memory_space<semaphore_mem>>) src(%dma_wait3A_140 : memref<128x16xf32, #tpu.memory_space<vmem>>) dst(%dma_wait3A_136 : memref<128x16xf32, #tpu.memory_space<hbm>>)
      tpu.yield
    }) : () -> ()
    %dma_wait3A_82 = arith.constant 2 : i32
    %dma_wait3A_83 = arith.constant 2 : i32
    %dma_wait3A_84 = arith.constant 0 : i32
    %dma_wait3A_85 = arith.constant 0 : i32
    %dma_wait3A_86 = tpu.memref_slice %arg6[%dma_wait3A_83, %dma_wait3A_84, %dma_wait3A_85] : memref<4x128x16xf32, #tpu.memory_space<vmem>> -> memref<1x128x16xf32, #tpu.memory_space<vmem>>
    %dma_wait3A_87 = tpu.memref_squeeze %dma_wait3A_86 : memref<1x128x16xf32, #tpu.memory_space<vmem>> -> memref<128x16xf32, #tpu.memory_space<vmem>>
    %dma_wait3A_88 = arith.constant 0 : i32
    %dma_wait3A_89 = tpu.memref_slice %arg5[%dma_wait3A_82, %dma_wait3A_88] : memref<4x128xi32, #tpu.memory_space<vmem>> -> memref<1x128xi32, #tpu.memory_space<vmem>>
    %dma_wait3A_90 = tpu.memref_squeeze %dma_wait3A_89 : memref<1x128xi32, #tpu.memory_space<vmem>> -> memref<128xi32, #tpu.memory_space<vmem>>
    %dma_wait3A_91 = arith.constant 0 : i32
    %dma_wait3A_92 = arith.constant 0 : i32
    %dma_wait3A_93 = tpu.memref_slice %arg3[%dma_wait3A_91, %dma_wait3A_92] : memref<36x16xf32, #tpu.memory_space<hbm>> -> memref<36x16xf32, #tpu.memory_space<hbm>>
    tpu.wait_indirect_dma semaphore(%arg7 : memref<!tpu.dma_semaphore, #tpu.memory_space<semaphore_mem>>) src(%dma_wait3A_93 : memref<36x16xf32, #tpu.memory_space<hbm>>) dst(%dma_wait3A_87 : memref<128x16xf32, #tpu.memory_space<vmem>>)
    %mul3A_94 = arith.constant 512 : i32
    %mul3A_95 = arith.muli %add3A, %mul3A_94 : i32
    %add3A_96 = arith.constant 256 : i32
    %add3A_97 = arith.addi %mul3A_95, %add3A_96 : i32
    %run_scoped3A_98 = arith.constant 2 : i32
    "tpu.region"() ({
      %run_scoped3A_116 = tpu.sem_alloc : memref<!tpu.dma_semaphore, #tpu.memory_space<semaphore_mem>>
      %dma_start3A_117 = arith.constant 0 : i32
      %dma_start3A_118 = arith.constant 0 : i32
      %dma_start3A_119 = tpu.memref_slice %arg6[%run_scoped3A_98, %dma_start3A_117, %dma_start3A_118] : memref<4x128x16xf32, #tpu.memory_space<vmem>> -> memref<1x128x16xf32, #tpu.memory_space<vmem>>
      %dma_start3A_120 = tpu.memref_squeeze %dma_start3A_119 : memref<1x128x16xf32, #tpu.memory_space<vmem>> -> memref<128x16xf32, #tpu.memory_space<vmem>>
      %dma_start3A_121 = arith.constant 0 : i32
      %dma_start3A_122 = tpu.memref_slice %arg4[%add3A_97, %dma_start3A_121] : memref<16384x16xf32, #tpu.memory_space<hbm>> -> memref<128x16xf32, #tpu.memory_space<hbm>>
      %dma_start3A_123 = arith.constant 0 : i32
      %dma_start3A_124 = tpu.memref_slice %arg4[%add3A_97, %dma_start3A_123] : memref<16384x16xf32, #tpu.memory_space<hbm>> -> memref<128x16xf32, #tpu.memory_space<hbm>>
      %dma_start3A_125 = arith.constant 0 : i32
      %dma_start3A_126 = arith.constant 0 : i32
      %dma_start3A_127 = tpu.memref_slice %arg6[%run_scoped3A_98, %dma_start3A_125, %dma_start3A_126] : memref<4x128x16xf32, #tpu.memory_space<vmem>> -> memref<1x128x16xf32, #tpu.memory_space<vmem>>
      %dma_start3A_128 = tpu.memref_squeeze %dma_start3A_127 : memref<1x128x16xf32, #tpu.memory_space<vmem>> -> memref<128x16xf32, #tpu.memory_space<vmem>>
      tpu.enqueue_dma source(%dma_start3A_128 : memref<128x16xf32, #tpu.memory_space<vmem>>) target(%dma_start3A_124 : memref<128x16xf32, #tpu.memory_space<hbm>>) target_semaphore(%run_scoped3A_116 : memref<!tpu.dma_semaphore, #tpu.memory_space<semaphore_mem>>)
      %dma_wait3A_129 = arith.constant 0 : i32
      %dma_wait3A_130 = arith.constant 0 : i32
      %dma_wait3A_131 = tpu.memref_slice %arg6[%run_scoped3A_98, %dma_wait3A_129, %dma_wait3A_130] : memref<4x128x16xf32, #tpu.memory_space<vmem>> -> memref<1x128x16xf32, #tpu.memory_space<vmem>>
      %dma_wait3A_132 = tpu.memref_squeeze %dma_wait3A_131 : memref<1x128x16xf32, #tpu.memory_space<vmem>> -> memref<128x16xf32, #tpu.memory_space<vmem>>
      %dma_wait3A_133 = arith.constant 0 : i32
      %dma_wait3A_134 = tpu.memref_slice %arg4[%add3A_97, %dma_wait3A_133] : memref<16384x16xf32, #tpu.memory_space<hbm>> -> memref<128x16xf32, #tpu.memory_space<hbm>>
      %dma_wait3A_135 = arith.constant 0 : i32
      %dma_wait3A_136 = tpu.memref_slice %arg4[%add3A_97, %dma_wait3A_135] : memref<16384x16xf32, #tpu.memory_space<hbm>> -> memref<128x16xf32, #tpu.memory_space<hbm>>
      %dma_wait3A_137 = arith.constant 0 : i32
      %dma_wait3A_138 = arith.constant 0 : i32
      %dma_wait3A_139 = tpu.memref_slice %arg6[%run_scoped3A_98, %dma_wait3A_137, %dma_wait3A_138] : memref<4x128x16xf32, #tpu.memory_space<vmem>> -> memref<1x128x16xf32, #tpu.memory_space<vmem>>
      %dma_wait3A_140 = tpu.memref_squeeze %dma_wait3A_139 : memref<1x128x16xf32, #tpu.memory_space<vmem>> -> memref<128x16xf32, #tpu.memory_space<vmem>>
      tpu.wait_dma2 semaphore(%run_scoped3A_116 : memref<!tpu.dma_semaphore, #tpu.memory_space<semaphore_mem>>) src(%dma_wait3A_140 : memref<128x16xf32, #tpu.memory_space<vmem>>) dst(%dma_wait3A_136 : memref<128x16xf32, #tpu.memory_space<hbm>>)
      tpu.yield
    }) : () -> ()
    %dma_wait3A_99 = arith.constant 3 : i32
    %dma_wait3A_100 = arith.constant 3 : i32
    %dma_wait3A_101 = arith.constant 0 : i32
    %dma_wait3A_102 = arith.constant 0 : i32
    %dma_wait3A_103 = tpu.memref_slice %arg6[%dma_wait3A_100, %dma_wait3A_101, %dma_wait3A_102] : memref<4x128x16xf32, #tpu.memory_space<vmem>> -> memref<1x128x16xf32, #tpu.memory_space<vmem>>
    %dma_wait3A_104 = tpu.memref_squeeze %dma_wait3A_103 : memref<1x128x16xf32, #tpu.memory_space<vmem>> -> memref<128x16xf32, #tpu.memory_space<vmem>>
    %dma_wait3A_105 = arith.constant 0 : i32
    %dma_wait3A_106 = tpu.memref_slice %arg5[%dma_wait3A_99, %dma_wait3A_105] : memref<4x128xi32, #tpu.memory_space<vmem>> -> memref<1x128xi32, #tpu.memory_space<vmem>>
    %dma_wait3A_107 = tpu.memref_squeeze %dma_wait3A_106 : memref<1x128xi32, #tpu.memory_space<vmem>> -> memref<128xi32, #tpu.memory_space<vmem>>
    %dma_wait3A_108 = arith.constant 0 : i32
    %dma_wait3A_109 = arith.constant 0 : i32
    %dma_wait3A_110 = tpu.memref_slice %arg3[%dma_wait3A_108, %dma_wait3A_109] : memref<36x16xf32, #tpu.memory_space<hbm>> -> memref<36x16xf32, #tpu.memory_space<hbm>>
    tpu.wait_indirect_dma semaphore(%arg7 : memref<!tpu.dma_semaphore, #tpu.memory_space<semaphore_mem>>) src(%dma_wait3A_110 : memref<36x16xf32, #tpu.memory_space<hbm>>) dst(%dma_wait3A_104 : memref<128x16xf32, #tpu.memory_space<vmem>>)
    %mul3A_111 = arith.constant 512 : i32
    %mul3A_112 = arith.muli %add3A, %mul3A_111 : i32
    %add3A_113 = arith.constant 384 : i32
    %add3A_114 = arith.addi %mul3A_112, %add3A_113 : i32
    %run_scoped3A_115 = arith.constant 3 : i32
    "tpu.region"() ({
      %run_scoped3A_116 = tpu.sem_alloc : memref<!tpu.dma_semaphore, #tpu.memory_space<semaphore_mem>>
      %dma_start3A_117 = arith.constant 0 : i32
      %dma_start3A_118 = arith.constant 0 : i32
      %dma_start3A_119 = tpu.memref_slice %arg6[%run_scoped3A_115, %dma_start3A_117, %dma_start3A_118] : memref<4x128x16xf32, #tpu.memory_space<vmem>> -> memref<1x128x16xf32, #tpu.memory_space<vmem>>
      %dma_start3A_120 = tpu.memref_squeeze %dma_start3A_119 : memref<1x128x16xf32, #tpu.memory_space<vmem>> -> memref<128x16xf32, #tpu.memory_space<vmem>>
      %dma_start3A_121 = arith.constant 0 : i32
      %dma_start3A_122 = tpu.memref_slice %arg4[%add3A_114, %dma_start3A_121] : memref<16384x16xf32, #tpu.memory_space<hbm>> -> memref<128x16xf32, #tpu.memory_space<hbm>>
      %dma_start3A_123 = arith.constant 0 : i32
      %dma_start3A_124 = tpu.memref_slice %arg4[%add3A_114, %dma_start3A_123] : memref<16384x16xf32, #tpu.memory_space<hbm>> -> memref<128x16xf32, #tpu.memory_space<hbm>>
      %dma_start3A_125 = arith.constant 0 : i32
      %dma_start3A_126 = arith.constant 0 : i32
      %dma_start3A_127 = tpu.memref_slice %arg6[%run_scoped3A_115, %dma_start3A_125, %dma_start3A_126] : memref<4x128x16xf32, #tpu.memory_space<vmem>> -> memref<1x128x16xf32, #tpu.memory_space<vmem>>
      %dma_start3A_128 = tpu.memref_squeeze %dma_start3A_127 : memref<1x128x16xf32, #tpu.memory_space<vmem>> -> memref<128x16xf32, #tpu.memory_space<vmem>>
      tpu.enqueue_dma source(%dma_start3A_128 : memref<128x16xf32, #tpu.memory_space<vmem>>) target(%dma_start3A_124 : memref<128x16xf32, #tpu.memory_space<hbm>>) target_semaphore(%run_scoped3A_116 : memref<!tpu.dma_semaphore, #tpu.memory_space<semaphore_mem>>)
      %dma_wait3A_129 = arith.constant 0 : i32
      %dma_wait3A_130 = arith.constant 0 : i32
      %dma_wait3A_131 = tpu.memref_slice %arg6[%run_scoped3A_115, %dma_wait3A_129, %dma_wait3A_130] : memref<4x128x16xf32, #tpu.memory_space<vmem>> -> memref<1x128x16xf32, #tpu.memory_space<vmem>>
      %dma_wait3A_132 = tpu.memref_squeeze %dma_wait3A_131 : memref<1x128x16xf32, #tpu.memory_space<vmem>> -> memref<128x16xf32, #tpu.memory_space<vmem>>
      %dma_wait3A_133 = arith.constant 0 : i32
      %dma_wait3A_134 = tpu.memref_slice %arg4[%add3A_114, %dma_wait3A_133] : memref<16384x16xf32, #tpu.memory_space<hbm>> -> memref<128x16xf32, #tpu.memory_space<hbm>>
      %dma_wait3A_135 = arith.constant 0 : i32
      %dma_wait3A_136 = tpu.memref_slice %arg4[%add3A_114, %dma_wait3A_135] : memref<16384x16xf32, #tpu.memory_space<hbm>> -> memref<128x16xf32, #tpu.memory_space<hbm>>
      %dma_wait3A_137 = arith.constant 0 : i32
      %dma_wait3A_138 = arith.constant 0 : i32
      %dma_wait3A_139 = tpu.memref_slice %arg6[%run_scoped3A_115, %dma_wait3A_137, %dma_wait3A_138] : memref<4x128x16xf32, #tpu.memory_space<vmem>> -> memref<1x128x16xf32, #tpu.memory_space<vmem>>
      %dma_wait3A_140 = tpu.memref_squeeze %dma_wait3A_139 : memref<1x128x16xf32, #tpu.memory_space<vmem>> -> memref<128x16xf32, #tpu.memory_space<vmem>>
      tpu.wait_dma2 semaphore(%run_scoped3A_116 : memref<!tpu.dma_semaphore, #tpu.memory_space<semaphore_mem>>) src(%dma_wait3A_140 : memref<128x16xf32, #tpu.memory_space<vmem>>) dst(%dma_wait3A_136 : memref<128x16xf32, #tpu.memory_space<hbm>>)
      tpu.yield
    }) : () -> ()
    return
  }
}

module attributes {stable_mosaic.version = 14 : i64} {
  func.func @_concat_body(%arg0: i32, %arg1: memref<4096x128xf32, #tpu.memory_space<vmem>>, %arg2: memref<4096x16xf32, #tpu.memory_space<vmem>>, %arg3: memref<4096x138xf32, #tpu.memory_space<vmem>>) attributes {dimension_semantics = [#tpu.dimension_semantics<arbitrary>], iteration_bounds = array<i64: 4>, scalar_prefetch = 0 : i64, scratch_operands = 0 : i64, tpu.core_type = #tpu.core_type<tc>, window_params = [{transform_indices = @transform_0, window_bounds = array<i64: 4096, 128>}, {transform_indices = @transform_1, window_bounds = array<i64: 4096, 16>}, {transform_indices = @transform_2, window_bounds = array<i64: 4096, 138>}]} {
    %get3A = arith.constant 0 : index
    %get3A_0 = arith.constant 0 : index
    %get3A_1 = vector.load %arg1[%get3A, %get3A_0] : memref<4096x128xf32, #tpu.memory_space<vmem>>, vector<4096x128xf32>
    %get3A_2 = arith.constant 0 : index
    %get3A_3 = arith.constant 0 : index
    %get3A_4 = vector.load %arg2[%get3A_2, %get3A_3] : memref<4096x16xf32, #tpu.memory_space<vmem>>, vector<4096x10xf32>
    %concatenate3A = tpu.concatenate %get3A_1, %get3A_4 in 1 : vector<4096x128xf32>, vector<4096x10xf32> -> vector<4096x138xf32>
    %swap3A = arith.constant 0 : index
    %swap3A_5 = arith.constant 0 : index
    %swap3A_6 = vector.load %arg3[%swap3A, %swap3A_5] : memref<4096x138xf32, #tpu.memory_space<vmem>>, vector<4096x138xf32>
    tpu.vector_store %arg3[%swap3A, %swap3A_5], %concatenate3A {strides = array<i32>} : memref<4096x138xf32, #tpu.memory_space<vmem>>, vector<4096x138xf32>,
    return
  }
  func.func @transform_0(%arg0: i32) -> (i32, i32) {
    %c0_i32 = arith.constant 0 : i32
    %c0_i32_0 = arith.constant 0 : i32
    return %arg0, %c0_i32 : i32, i32
  }
  func.func @transform_1(%arg0: i32) -> (i32, i32) {
    %c0_i32 = arith.constant 0 : i32
    %c0_i32_0 = arith.constant 0 : i32
    return %arg0, %c0_i32 : i32, i32
  }
  func.func @transform_2(%arg0: i32) -> (i32, i32) {
    %c0_i32 = arith.constant 0 : i32
    %c0_i32_0 = arith.constant 0 : i32
    return %arg0, %c0_i32 : i32, i32
  }
}

</mosaic_0001>

<sc_bundles>
// kernel: kernel.4.cloned.1.call-start
scs
__scs_entry_jumppad:
0x0: {  	(pc) =	sbr.rel $0x88, $3  }
0x1: {  	(tag) =	ssettag $0x0;
	lr =	simm.s32 $0x1  }
0x2: {  	[smem:$0x3F9E] =	sst lr;
	_ =	strace $0xD0000000  }
0x3: {  	_ = 	snop  }
0x4: {  	_ = 	snop  }
0x5: {  	_ = 	snop  }
0x6: {  	_ = 	snop  }
0x7: {  	_ = 	snop  }
__scs_overlays_trampoline_lowered:
0x8: {  	[smem:$0x3FAD] =	sst s0  }
0x9: {  	[smem:$0x3FAE] =	sst s1  }
0xa: {  	[smem:$0x3FAF] =	sst s2  }
0xb: {  	[smem:$0x3FB0] =	sst s3  }
0xc: {  	[smem:$0x3FB1] =	sst s4  }
0xd: {  	[smem:$0x3FB2] =	sst s5  }
0xe: {  	[smem:$0x3FB3] =	sst s6  }
0xf: {  	[smem:$0x3FB4] =	sst s7  }
0x10: {  	[smem:$0x3FB5] =	sst s8  }
0x11: {  	[smem:$0x3FB6] =	sst s9;
	s0 =	simm.s32 @!p0 $0x0  }
0x12: {  	s1 =	sld [smem:$0x3F9C];
	s0 =	simm.s32 @p0 $0x1  }
0x13: {  	[smem:$0x3FB7] =	sst s0;
	s0 =	simm.s32 @!p1 $0x0  }
0x14: {  	s2 =	sld [smem:$0x3F9B];
	s0 =	simm.s32 @p1 $0x1  }
0x15: {  	[smem:$0x3FB8] =	sst s0;
	s0 =	simm.s32 @!p2 $0x0  }
0x16: {  	s3 =	sld [smem:$0x3FDB];
	s0 =	simm.s32 @p2 $0x1  }
0x17: {  	s4 =	simm.s32 $0x1BF5;
	[smem:$0x3FBA] =	sst s0  }
0x18: {  	s0 =	sld [smem:$0x3F9D];
	_ =	swait.ge [sflag:s4], $0x0  }
0x19: {  	s7 =	sld [smem:$0x3F9E]  }
0x1a: {  	s8 =	sadd.s32 $0xFFFFE003, lr  }
0x1b: {  	s9 =	sadd.s32 $0xFFFFFEF7, lr;
	s5 =	simm.s32 $0xFFFFFFFF;
	p2 =	slt.u32 s8, $0xFFFFF086  }
0x1c: {  	p1 =	slt.u32 s9, $0xF7A;
	s5 =	simm.s32 @!p2 $0x0  }
0x1d: {  	s5 =	simm.s32 @p1 $0x1;
	p0 =	seq.s32 s7, s2  }
0x1e: {  	s7 =	smul.u32 @!p0 $0xF7A, s2;
	p2 =	seq.s32 @!p0 s5, $0x0  }
0x1f: {  	s9 =	smul.u32 $0xF7A, s1;
	s8 =	simm.s32 @!p0 $0x1BF5;
	p2 =	por !p2, p0  }
0x20: {  	[sflag:s8] =	ssyncset.s32 @!p0 $0xFFFFF086;
	s6 =	sadd.s32 @!p0 s3, s7;
	s7 =	simm.s32 @!p0 $0x108  }
0x21: {  	s3 =	sadd.s32 s3, s9;
	s6 =	sadd.s32 @!p0 $0x88, s6;
	s7 =	simm.s32 @p2 $0x1082  }
0x22: {  	[simem:s7], [sflag:s8] =	dma.local @!p0 [hbm:s6], $0xF7A  }
0x23: {  	s9 =	sor.u32 $0xD0000000, s2;
	s6 =	simm.s32 $0x108;
	_ =	swait.ge @!p0 [sflag:s8], $0x0  }
0x24: {  	s3 =	sadd.s32 $0x88, s3;
	s6 =	simm.s32 @!p1 $0x1082;
	[sflag:s4] =	ssyncset.s32 $0xFFFFF086  }
0x25: {  	[simem:s6], [sflag:s4] =	dma.local [hbm:s3], $0xF7A  }
0x26: {  	[smem:$0x3F9E] =	sst s1;
	(tag) =	ssettag s2;
	_ =	strace s9  }
0x27: {  	s1 =	sld [smem:$0x3FAE]  }
0x28: {  	s2 =	sld [smem:$0x3FAF]  }
0x29: {  	s4 =	sld [smem:$0x3FB1]  }
0x2a: {  	p0 =	seq.s32 s5, $0x0;
	s5 =	sld [smem:$0x3FB2]  }
0x2b: {  	s6 =	sld [smem:$0x3FB3]  }
0x2c: {  	s7 =	sld [smem:$0x3FB4]  }
0x2d: {  	s3 =	simm.s32 $0x108;
	s8 =	sld [smem:$0x3FB5]  }
0x2e: {  	s3 =	simm.s32 @!p0 $0x1082;
	s9 =	sld [smem:$0x3FB6]  }
0x2f: {  	lr =	sadd.s32 s0, s3;
	s0 =	sld [smem:$0x3FAD]  }
0x30: {  	s3 =	sld [smem:$0x3FB0]  }
0x31: {  	[smem:$0x3FB9] =	sst s10  }
0x32: {  	s10 =	sld [smem:$0x3FB7];
	_ =	sdelay $0x3  }
0x33: {  	p0 =	seq.s32 s10, $0x1;
	s10 =	sld [smem:$0x3FB9];
	_ =	sdelay $0x3  }
0x34: {  	[smem:$0x3FB9] =	sst s10  }
0x35: {  	s10 =	sld [smem:$0x3FB8];
	_ =	sdelay $0x3  }
0x36: {  	p1 =	seq.s32 s10, $0x1;
	s10 =	sld [smem:$0x3FB9];
	_ =	sdelay $0x3  }
0x37: {  	[smem:$0x3FB9] =	sst s10  }
0x38: {  	s10 =	sld [smem:$0x3FBA]  }
0x39: {  	_ = 	snop;
	(pc) =	sbr.ind lr, $3  }
0x3a: {  	_ = 	snop  }
0x3b: {  	_ = 	snop  }
0x3c: {  	p2 =	seq.s32 s10, $0x1;
	s10 =	sld [smem:$0x3FB9]  }
0x3d: {  	_ =	shalt  }
0x3e: {  	_ =	shalt  }
0x3f: {  	_ =	shalt  }
0x40: {  	_ =	shalt  }
0x41: {  	_ =	shalt  }
0x42: {  	_ =	shalt  }
0x43: {  	_ =	shalt  }
0x44: {  	_ =	shalt  }
0x45: {  	_ =	shalt  }
0x46: {  	_ =	shalt  }
0x47: {  	_ =	shalt  }
0x48: {  	_ =	shalt  }
0x49: {  	_ =	shalt  }
0x4a: {  	_ =	shalt  }
0x4b: {  	_ =	shalt  }
0x4c: {  	_ =	shalt  }
0x4d: {  	_ =	shalt  }
0x4e: {  	_ =	shalt  }
0x4f: {  	_ =	shalt  }
0x50: {  	_ =	shalt  }
0x51: {  	_ =	shalt  }
0x52: {  	_ =	shalt  }
0x53: {  	_ =	shalt  }
0x54: {  	_ =	shalt  }
0x55: {  	_ =	shalt  }
0x56: {  	_ =	shalt  }
0x57: {  	_ =	shalt  }
0x58: {  	_ =	shalt  }
0x59: {  	_ =	shalt  }
0x5a: {  	_ =	shalt  }
0x5b: {  	_ =	shalt  }
0x5c: {  	_ =	shalt  }
0x5d: {  	_ =	shalt  }
0x5e: {  	_ =	shalt  }
0x5f: {  	_ =	shalt  }
0x60: {  	_ =	shalt  }
0x61: {  	_ =	shalt  }
0x62: {  	_ =	shalt  }
0x63: {  	_ =	shalt  }
0x64: {  	_ =	shalt  }
0x65: {  	_ =	shalt  }
0x66: {  	_ =	shalt  }
0x67: {  	_ =	shalt  }
0x68: {  	_ =	shalt  }
0x69: {  	_ =	shalt  }
0x6a: {  	_ =	shalt  }
0x6b: {  	_ =	shalt  }
0x6c: {  	_ =	shalt  }
0x6d: {  	_ =	shalt  }
0x6e: {  	_ =	shalt  }
0x6f: {  	_ =	shalt  }
0x70: {  	_ =	shalt  }
0x71: {  	_ =	shalt  }
0x72: {  	_ =	shalt  }
0x73: {  	_ =	shalt  }
0x74: {  	_ =	shalt  }
0x75: {  	_ =	shalt  }
0x76: {  	_ =	shalt  }
0x77: {  	_ =	shalt  }
0x78: {  	_ =	shalt  }
0x79: {  	_ =	shalt  }
0x7a: {  	_ =	shalt  }
0x7b: {  	_ =	shalt  }
0x7c: {  	_ =	shalt  }
0x7d: {  	_ =	shalt  }
0x7e: {  	_ =	shalt  }
0x7f: {  	_ =	shalt  }
0x80: {  	_ =	shalt  }
0x81: {  	_ =	shalt  }
0x82: {  	_ =	shalt  }
0x83: {  	_ =	shalt  }
0x84: {  	_ =	shalt  }
0x85: {  	_ =	shalt  }
0x86: {  	_ =	shalt  }
0x87: {  	_ =	shalt  }
.Lfunc_end0:
.L_simem_size_0:
called_computation_lowered:
.L_overlay_start_0:
0x88: {  	s2 =	sld [smem:$0x3FD9]  }
0x89: {  	s3 =	sld [smem:$0x3FFE];
	_ =	sdelay $0x1  }
0x8a: {  	s1 =	srdreg.scid  }
0x8b: {  	s0 =	sand.u32 $0x1, s1  }
0x8c: {  	s17 =	sshll.u32 s0, $0xA;
	s2 =	sadd.s32 s3, s2  }
0x8d: {  	s2 =	sadd.s32 s2, s17  }
0x8e: {  	[smem:$0x3FC5] =	sst s2  }
0x8f: {  	_ = 	snop  }
0x90: {  	s2 =	sld [smem:$0x3FC8]  }
0x91: {  	s18 =	sld [smem:$0x3FD0];
	(tm) =	ssettm $0x1  }
0x92: {  	s4 =	sld [smem:$0x3FFB];
	_ =	sdelay $0x3  }
0x93: {  	_ =	strace s4  }
0x94: {  	s4 =	sld [smem:$0x3FFC];
	_ =	sdelay $0x3  }
0x95: {  	_ =	strace s4  }
0x96: {  	s4 =	sld [smem:$0x3FFD];
	_ =	sdelay $0x3  }
0x97: {  	_ =	strace s4  }
0x98: {  	_ =	strace $0x8FFFFFFF  }
0x99: {  	s19 =	sld [smem:$0x3FDB];
	_ =	sdelay $0x1  }
0x9a: {  	s5 =	simm.s32 $_scs_section_size  }
0x9b: {  	s6 =	simm.s32 $_size__tile_overlayer_lowered;
	s7 =	simm.s32 $_tile_overlayer_lowered  }
0x9c: {  	s22 =	simm.s32 $0x1BFF;
	s21 =	sshll.u32 s7, $0x1;
	s4 =	sadd.s32 s5, s19  }
0x9d: {  	s8 =	simm.s32 $0x0;
	s20 =	sshll.u32 s6, $0x1;
	s6 =	sadd.s32 s21, s4  }
0x9e: {  	[timem:s8], [sflag:s22] =	dma.local [hbm:s6], s20  }
0x9f: {  	_ =	swait.ge [sflag:s22], s20  }
0xa0: {  	s5 =	ssub.s32 $0x0, s20;
	[sflag:s22] =	ssyncset.done $0x0  }
0xa1: {  	[sflag:s22] =	ssyncadd.s32 s5;
	_ =	sdelay $0x1  }
0xa2: {  	s23 =	simm.s32 $0x1B8B  }
0xa3: {  	_ =	swait.ge [sflag:s23], $0x1  }
0xa4: {  	[sflag:s23] =	ssyncset.done $0x0  }
0xa5: {  	s25 =	simm.s32 $0x1B8E;
	s24 =	sld [smem:$0x3FFE];
	[sflag:s23] =	ssyncadd.s32 $0xFFFFFFFF  }
0xa6: {  	s26 =	simm.s32 $execute0_lowered;
	[smem:$0x3FD2] =	sst s25  }
0xa7: {  	s6 =	sshll.u32 s26, $0x1;
	_ =	strace $0x80000046;
	[dreg:$0x1] =	wrdreg $0xFFFFFFFF  }
0xa8: {  	s28 =	simm.s32 $_size_execute0_lowered;
	s4 =	sadd.s32 s4, s6;
	[dreg:$0x0] =	wrdreg $0x0  }
0xa9: {  	s6 =	sshll.u32 s28, $0x1;
	[dreg:$0x2] =	wrdreg s4  }
0xaa: {  	[dreg:$0x3] =	wrdreg s6  }
0xab: {  	[dreg:$0x4] =	wrdreg $0xC0  }
0xac: {  	_ =	task [dreg:s8], $0x5FFFF  }
0xad: {  	[dreg:$0x1] =	wrdreg $0xFFFFFFFF  }
0xae: {  	[dreg:$0x0] =	wrdreg $0x60  }
0xaf: {  	[dreg:$0x2] =	wrdreg s2  }
0xb0: {  	[dreg:$0x3] =	wrdreg s24  }
0xb1: {  	[dreg:$0x4] =	wrdreg s18  }
0xb2: {  	[dreg:$0x5] =	wrdreg $0x9  }
0xb3: {  	_ =	task.clear_ibuf [dreg:s8], $0x6FFFF;
	_ =	strace $0x90000046  }
0xb4: {  	s29 =	simm.s32 $0x9;
	_ =	strace $0x80000048  }
0xb5: {  	_ =	swait.ge [sflag:s29], $0x1  }
0xb6: {  	[sflag:s29] =	ssyncadd.s32 $0xFFFFFFFF  }
0xb7: {  	_ =	strace $0x90000048  }
0xb8: {  	_ =	sfence  }
0xb9: {  	s30 =	sld [smem:$0x0];
	_ =	sdelay $0x2  }
0xba: {  	s31 =	sshll.u32 s1, $0xD;
	s1 =	sshrl.u32 s1, $0x2  }
0xbb: {  	s3 =	sand.u32 $0x4000, s31;
	s1 =	sadd.s32 s1, s30  }
0xbc: {  	s0 =	sor.u32 s3, s0;
	s1 =	sshll.u32 s1, $0x11  }
0xbd: {  	s0 =	sor.u32 s1, s0  }
0xbe: {  	s0 =	sadd.s32 $0x8F2B, s0  }
0xbf: {  	[sflag:s0] =	ssyncadd.remote.s32 $0x1  }
0xc0: {  	_ =	sfence.sel $0xFFFF  }
0xc1: {  	[dreg:$0x0] =	wrdreg $0xFFFFFFFF;
	(pc) =	sbr.abs _section_cstart, $3  }
0xc2: {  	[dreg:$0x1] =	wrdreg $0xFFFFFFFF  }
0xc3: {  	_ =	task.clear_ibuf [dreg:s8], $0x2FFFF;
	_ =	strace $0x9FFFFFFF  }
0xc4: {  	(tm) =	ssettm $0x7FFFFFFF  }
0xc5: {  	_ =	shalt  }
tec
execute0_lowered:
.L_overlay_start_1:
0x0: {  	(tag) =	ssettag $0x1  }
0x1: {  	s3 =	rddreg [dreg:$0x0]  }
0x2: {  	s5 =	rddreg [dreg:$0x1]  }
0x3: {  	s1 =	srdreg.scid;
	s0 =	stileid.u32  }
0x4: {  	s14 =	rddreg [dreg:$0x2];
	s17 =	sand.u32 $0x1, s1;
	s4 =	sshll.u32 s0, $0x1  }
0x5: {  	s2 =	simm.s32 $0x0;
	s1 =	rddreg [dreg:$0x3];
	s15 =	sor.u32 s17, s4  }
0x6: {  	[smem:$0x7FF] =	sst s2;
	s4 =	sshll.u32 s15, $0x6  }
0x7: {  	_ =	strace $0x80000047;
	s4 =	sadd.s32 s3, s4;
	s3 =	simm.s32 $0x2  }
0x8: {  	[tilespmem:s2], [sflag:$0x2] =	stream.linear.gather [hbm4b:s4+s2], $0x200, $0x38;
	[tilespmem:$0x2200] =	vst v63  }
0x9: {  	_ =	swait.ge [sflag:s3], $0x200  }
0xa: {  	s6 =	simm.s32 $0x80;
	[sflag:s3] =	ssyncset.done $0x0  }
0xb: {  	s7 =	simm.s32 $0x200;
	s5 =	sadd.s32 $0x600, s5;
	[sflag:s3] =	ssyncadd.s32 $0xFFFFFE00  }
0xc: {  	[tilespmem:s7], [sflag:$0x1] =	stream.indirect.gather [hbm4b:s5+s6], $0x10, s2, s6, $0xb8;
	[tilespmem:$0x2200] =	vst v63  }
0xd: {  	s8 =	simm.s32 $0xA00  }
0xe: {  	[tilespmem:s8], [sflag:$0x1] =	stream.indirect.gather [hbm4b:s5+s6], $0x10, s6, s6, $0xb8;
	[tilespmem:$0x2200] =	vst v63  }
0xf: {  	s9 =	simm.s32 $0x100;
	s10 =	simm.s32 $0x1200  }
0x10: {  	[tilespmem:s10], [sflag:$0x1] =	stream.indirect.gather [hbm4b:s5+s6], $0x10, s9, s6, $0xb8;
	[tilespmem:$0x2200] =	vst v63  }
0x11: {  	s11 =	simm.s32 $0x180;
	s12 =	simm.s32 $0x1A00;
	s13 =	simm.s32 $0x1  }
0x12: {  	[tilespmem:s12], [sflag:$0x1] =	stream.indirect.gather [hbm4b:s5+s6], $0x10, s11, s6, $0xb8;
	[tilespmem:$0x2200] =	vst v63  }
0x13: {  	_ =	swait.ge [sflag:s13], $0x800  }
0x14: {  	s15 =	sshll.u32 s15, $0xA;
	[sflag:s13] =	ssyncset.done $0x0  }
0x15: {  	s14 =	sadd.s32 s14, s15;
	[sflag:s13] =	ssyncadd.s32 $0xFFFFF800  }
0x16: {  	[hbm4b:s14+s2] =	stream.linear.scatter [tilespmem:s7], [sflag:$0x2], $0x800, $0x38;
	[tilespmem:$0x2200] =	vst v63  }
0x17: {  	_ =	swait.ge [sflag:s3], $0x800  }
0x18: {  	[sflag:s3] =	ssyncset.done $0x0  }
0x19: {  	[sflag:s3] =	ssyncadd.s32 $0xFFFFF800  }
0x1a: {  	_ =	swait.ge [sflag:s13], $0x800  }
0x1b: {  	[sflag:s13] =	ssyncset.done $0x0  }
0x1c: {  	s15 =	sadd.s32 $0x100, s14;
	[sflag:s13] =	ssyncadd.s32 $0xFFFFF800  }
0x1d: {  	[hbm4b:s15+s2] =	stream.linear.scatter [tilespmem:s8], [sflag:$0x2], $0x800, $0x38;
	[tilespmem:$0x2200] =	vst v63  }
0x1e: {  	_ =	swait.ge [sflag:s3], $0x800  }
0x1f: {  	[sflag:s3] =	ssyncset.done $0x0  }
0x20: {  	[sflag:s3] =	ssyncadd.s32 $0xFFFFF800  }
0x21: {  	_ =	swait.ge [sflag:s13], $0x800  }
0x22: {  	[sflag:s13] =	ssyncset.done $0x0  }
0x23: {  	s17 =	ssub.s32 $0x2, s17;
	s16 =	sadd.s32 $0x200, s14;
	[sflag:s13] =	ssyncadd.s32 $0xFFFFF800  }
0x24: {  	[hbm4b:s16+s2] =	stream.linear.scatter [tilespmem:s10], [sflag:$0x2], $0x800, $0x38;
	[tilespmem:$0x2200] =	vst v63  }
0x25: {  	s18 =	sshrl.u32 s17, $0x1;
	_ =	swait.ge [sflag:s3], $0x800  }
0x26: {  	s18 =	ssub.s32 s17, s18;
	[sflag:s3] =	ssyncset.done $0x0  }
0x27: {  	s18 =	smax.u32 s18, $0x1;
	[sflag:s3] =	ssyncadd.s32 $0xFFFFF800  }
0x28: {  	p0 =	sne.s32 s18, $0x1;
	_ =	swait.ge [sflag:s13], $0x800  }
.Ltmp0:
0x29: {  	[sflag:s13] =	ssyncset.done $0x0;
	(pc) =	sbr.rel @!p0 .LBB2_2-.Ltmp0, $4  }
0x2a: {  	s17 =	sadd.s32 $0x300, s14;
	[sflag:s13] =	ssyncadd.s32 $0xFFFFF800  }
0x2b: {  	[hbm4b:s17+s2] =	stream.linear.scatter [tilespmem:s12], [sflag:$0x2], $0x800, $0x38;
	[tilespmem:$0x2200] =	vst v63  }
0x2c: {  	_ =	swait.ge [sflag:s3], $0x800  }
0x2d: {  	s18 =	sadd.s32 $0xFFFFFFFF, s18;
	[sflag:s3] =	ssyncset.done $0x0  }
.LBB2_1:
0x2e: {  	p0 =	sne.s32 s18, $0x1;
	s18 =	sadd.s32 $0xFFFFFFFF, s18;
	[sflag:s3] =	ssyncadd.s32 $0xFFFFF800  }
0x2f: {  	[tilespmem:s2], [sflag:$0x2] =	stream.linear.gather [hbm4b:s4+s2], $0x200, $0x38;
	[tilespmem:$0x2200] =	vst v63  }
0x30: {  	_ =	swait.ge [sflag:s3], $0x200  }
0x31: {  	[sflag:s3] =	ssyncset.done $0x0  }
0x32: {  	[sflag:s3] =	ssyncadd.s32 $0xFFFFFE00  }
0x33: {  	[tilespmem:s7], [sflag:$0x1] =	stream.indirect.gather [hbm4b:s5+s6], $0x10, s2, s6, $0xb8;
	[tilespmem:$0x2200] =	vst v63  }
0x34: {  	_ = 	snop  }
0x35: {  	[tilespmem:s8], [sflag:$0x1] =	stream.indirect.gather [hbm4b:s5+s6], $0x10, s6, s6, $0xb8;
	[tilespmem:$0x2200] =	vst v63  }
0x36: {  	_ = 	snop  }
0x37: {  	[tilespmem:s10], [sflag:$0x1] =	stream.indirect.gather [hbm4b:s5+s6], $0x10, s9, s6, $0xb8;
	[tilespmem:$0x2200] =	vst v63  }
0x38: {  	_ = 	snop  }
0x39: {  	[tilespmem:s12], [sflag:$0x1] =	stream.indirect.gather [hbm4b:s5+s6], $0x10, s11, s6, $0xb8;
	[tilespmem:$0x2200] =	vst v63  }
0x3a: {  	_ =	swait.ge [sflag:s13], $0x800  }
0x3b: {  	[sflag:s13] =	ssyncset.done $0x0  }
0x3c: {  	[sflag:s13] =	ssyncadd.s32 $0xFFFFF800  }
0x3d: {  	[hbm4b:s14+s2] =	stream.linear.scatter [tilespmem:s7], [sflag:$0x2], $0x800, $0x38;
	[tilespmem:$0x2200] =	vst v63  }
0x3e: {  	_ =	swait.ge [sflag:s3], $0x800  }
0x3f: {  	[sflag:s3] =	ssyncset.done $0x0  }
0x40: {  	[sflag:s3] =	ssyncadd.s32 $0xFFFFF800  }
0x41: {  	_ =	swait.ge [sflag:s13], $0x800  }
0x42: {  	[sflag:s13] =	ssyncset.done $0x0  }
0x43: {  	[sflag:s13] =	ssyncadd.s32 $0xFFFFF800  }
0x44: {  	[hbm4b:s15+s2] =	stream.linear.scatter [tilespmem:s8], [sflag:$0x2], $0x800, $0x38;
	[tilespmem:$0x2200] =	vst v63  }
0x45: {  	_ =	swait.ge [sflag:s3], $0x800  }
0x46: {  	[sflag:s3] =	ssyncset.done $0x0  }
0x47: {  	[sflag:s3] =	ssyncadd.s32 $0xFFFFF800  }
0x48: {  	_ =	swait.ge [sflag:s13], $0x800  }
0x49: {  	[sflag:s13] =	ssyncset.done $0x0  }
0x4a: {  	[sflag:s13] =	ssyncadd.s32 $0xFFFFF800  }
0x4b: {  	[hbm4b:s16+s2] =	stream.linear.scatter [tilespmem:s10], [sflag:$0x2], $0x800, $0x38;
	[tilespmem:$0x2200] =	vst v63  }
0x4c: {  	_ =	swait.ge [sflag:s3], $0x800  }
0x4d: {  	[sflag:s3] =	ssyncset.done $0x0  }
0x4e: {  	[sflag:s3] =	ssyncadd.s32 $0xFFFFF800  }
0x4f: {  	_ =	swait.ge [sflag:s13], $0x800  }
.Ltmp1:
0x50: {  	[sflag:s13] =	ssyncset.done $0x0;
	(pc) =	sbr.rel @p0 .LBB2_1-.Ltmp1, $4  }
0x51: {  	[sflag:s13] =	ssyncadd.s32 $0xFFFFF800  }
0x52: {  	[hbm4b:s17+s2] =	stream.linear.scatter [tilespmem:s12], [sflag:$0x2], $0x800, $0x38;
	[tilespmem:$0x2200] =	vst v63  }
0x53: {  	_ =	swait.ge [sflag:s3], $0x800  }
0x54: {  	[sflag:s3] =	ssyncset.done $0x0  }
.LBB2_2:
0x55: {  	[sflag:s3] =	ssyncadd.s32 $0xFFFFF800  }
0x56: {  	_ =	sfence.sel $0x180000  }
0x57: {  	[bflag:$0x0] =	sbarrier.arrive $0xFFFF  }
0x58: {  	p0 =	sne.s32 s0, $0x0;
	_ =	strace $0x90000047  }
0x59: {  	s0 =	sadd.s32 @!p0 $0x100000, s1;
	[bflag:$0x2] =	sbarrier.arrive $0xFFFF  }
0x5a: {  	[sflag:s0] =	ssyncadd.tile.s32 @!p0 $0x1;
	_ =	shalt  }
.Lfunc_end2:
_tile_overlayer_lowered:
.L_overlay_start_2:
0x5b: {  	(tag) =	ssettag $0x2  }
0x5c: {  	s0 =	rddreg [dreg:$0x0];
	s2 =	stileid.u32  }
0x5d: {  	s1 =	rddreg [dreg:$0x1];
	p0 =	sne.s32 s2, $0x0  }
0x5e: {  	s3 =	rddreg [dreg:$0x2];
	[bflag:$0x3] =	sbarrier.arrive $0xFFFF;
	s2 =	simm.s32 @!p0 $0x1C02  }
0x5f: {  	[timem:s3], [sflag:s2] =	dma.local @!p0 [hbm:s0], s1  }
0x60: {  	s0 =	simm.s32 @!p0 $0x2  }
0x61: {  	_ =	swait.ge @!p0 [sflag:s0], s1  }
0x62: {  	s1 =	ssub.s32 @!p0 $0x0, s1;
	[sflag:s0] =	ssyncset.done @!p0 $0x0  }
0x63: {  	[sflag:s0] =	ssyncadd.s32 @!p0 s1  }
0x64: {  	[bflag:$0x3] =	sbarrier.arrive $0xFFFF  }
0x65: {  	_ =	shalt  }

</sc_bundles>
